<compile_context>
chip_gen: v7x
topology: tpu7x:2x2x1
jax: 0.10.2.dev20260603
libtpu: 0.0.44.dev20260713+nightly
codegen_flags: <defaults>
</compile_context>

<pallas_src>
import functools

import jax
import jax.numpy as jnp
from jax import lax
from jax.experimental import pallas as pl
from jax.experimental.pallas import tpu as pltpu
from jax.experimental.pallas import tpu_sc as plsc

B = 16384
NC = 1000
D = 128
S = 0.1 / NC


NUM_WORKERS = 32
BPW = B // NUM_WORKERS
LANES = 16
CHUNK = 128
NCHUNK = BPW // CHUNK


def _gather_body(pred_hbm, tgt_hbm, out_hbm, tvec, idxv, rows, sem):
    wid = lax.axis_index("s") * 2 + lax.axis_index("c")
    base = wid * BPW
    pltpu.sync_copy(tgt_hbm.at[pl.ds(base, BPW)], tvec)

    def compute_idx(k, carry):
        t = tvec[pl.ds(k * LANES, LANES)]
        row = lax.iota(jnp.int32, LANES) + (base + k * LANES)
        idxv[pl.ds(k * LANES, LANES)] = row * NC + t
        return carry

    lax.fori_loop(0, BPW // LANES, compute_idx, 0)

    copies = [
        pltpu.async_copy(
            pred_hbm.at[idxv.at[pl.ds(j * CHUNK, CHUNK)]],
            rows.at[pl.ds(j * CHUNK, CHUNK)],
            sem,
        )
        for j in range(NCHUNK)
    ]
    for cp in copies:
        cp.wait()
    pltpu.sync_copy(rows, out_hbm.at[pl.ds(base, BPW)])


@functools.cache
def _make_gather_pt():
    return pl.kernel(
        _gather_body,
        mesh=plsc.VectorSubcoreMesh(core_axis_name="c", subcore_axis_name="s"),
        out_type=jax.ShapeDtypeStruct((B,), jnp.float32),
        scratch_types=[
            pltpu.VMEM((BPW,), jnp.int32),
            pltpu.VMEM((BPW,), jnp.int32),
            pltpu.VMEM((BPW,), jnp.float32),
            pltpu.SemaphoreType.DMA,
        ],
    )


ROWS_PER_BLOCK = 1024
NBLK = B // ROWS_PER_BLOCK


def _loss_body(pred_ref, pt_ref, w1_ref, w2_ref, out_ref, acc_ref):
    i = pl.program_id(0)
    p = pred_ref[...]
    l1 = jnp.maximum(jnp.log(p), -100.0)
    l2 = jnp.maximum(jnp.log(1.0 - p), -100.0)
    s1 = jnp.sum(l1)
    s2 = jnp.sum(l2)

    @pl.when(i == 0)
    def _init():
        acc_ref[0] = s1
        acc_ref[1] = s2

    @pl.when(i > 0)
    def _acc():
        acc_ref[0] += s1
        acc_ref[1] += s2

    @pl.when(i == NBLK - 1)
    def _finish():
        pt = pt_ref[...]
        l1t = jnp.maximum(jnp.log(pt), -100.0)
        l2t = jnp.maximum(jnp.log(1.0 - pt), -100.0)
        corr = jnp.sum(l1t - l2t)
        w1 = w1_ref[...]
        w2 = w2_ref[...]
        num = jnp.sum(w1 * w2, axis=1, keepdims=True)
        n1 = jnp.sqrt(jnp.sum(w1 * w1, axis=1, keepdims=True))
        n2 = jnp.sqrt(jnp.sum(w2 * w2, axis=1, keepdims=True))
        sim = jnp.abs(num / jnp.maximum(n1 * n2, 1e-8))
        sim = jnp.clip(sim, 1e-4, 0.9999)
        wsim = -jnp.sum(jnp.log(1.0 - sim)) * (1.0 / NC)
        bce = -(S * acc_ref[0] + (1.0 - S) * acc_ref[1] + 0.9 * corr) / (
            B * NC
        )
        out_ref[0, 0] = bce + 100.0 * wsim


_loss = pl.pallas_call(
    _loss_body,
    grid=(NBLK,),
    in_specs=[
        pl.BlockSpec((ROWS_PER_BLOCK, NC), lambda i: (i, 0)),
        pl.BlockSpec((128, 128), lambda i: (0, 0)),
        pl.BlockSpec((NC, D), lambda i: (0, 0)),
        pl.BlockSpec((NC, D), lambda i: (0, 0)),
    ],
    out_specs=pl.BlockSpec(memory_space=pltpu.SMEM),
    out_shape=jax.ShapeDtypeStruct((1, 1), jnp.float32),
    scratch_shapes=[pltpu.SMEM((2,), jnp.float32)],
    compiler_params=pltpu.CompilerParams(dimension_semantics=("arbitrary",)),
)


def kernel(pred, targets, fc_w1, fc_w2):
    pt = _make_gather_pt()(pred.reshape(-1), targets)
    out = _loss(pred, pt.reshape(128, 128), fc_w1, fc_w2)
    return out[0, 0]

# --- scband reference (transcript-rebuilt; emitter-appended) ---
"""Pipeline reference for scband-cra-1657857376573 (READ-ONLY COPY).

The authoritative reference and input builder live on the scoring server;
editing this copy changes nothing except your own understanding.
"""

import jax, jax.numpy as jnp
import numpy as np

B = 16384
NC = 1000
D = 128
LABEL_SMOOTHING = 0.1

def setup_inputs(seed: int = 0) -> dict:
    key = jax.random.key(seed)
    k1, k2, k3, k4 = jax.random.split(key, 4)
    pred = jax.random.uniform(k1, (B, NC), dtype=jnp.float32)
    targets = jax.random.randint(k2, (B,), 0, NC, dtype=jnp.int32)
    fc_w1 = jax.random.normal(k3, (NC, D), dtype=jnp.float32) * 0.02
    fc_w2 = jax.random.normal(k4, (NC, D), dtype=jnp.float32) * 0.02
    return {"pred": pred, "targets": targets, "fc_w1": fc_w1, "fc_w2": fc_w2}

def _bce_no_reduction(p, y):
    # torch BCELoss clamps log terms at -100
    logp = jnp.maximum(jnp.log(p), -100.0)
    log1mp = jnp.maximum(jnp.log(1.0 - p), -100.0)
    return -(y * logp + (1.0 - y) * log1mp)

def reference(pred, targets, fc_w1, fc_w2):
    nc = pred.shape[-1]
    # targets are class indices -> one-hot via scatter
    y_onehot = jnp.zeros(pred.shape, dtype=pred.dtype).at[jnp.arange(pred.shape[0]), targets].set(1.0)
    y_smooth = y_onehot * (1.0 - LABEL_SMOOTHING) + LABEL_SMOOTHING / nc
    loss = _bce_no_reduction(pred, y_smooth)
    loss = loss.mean()  # reduction='mean'
    # cosine similarity between the two classifier weight matrices, row-wise (dim=1), eps=1e-8
    eps = 1e-8
    num = jnp.sum(fc_w1 * fc_w2, axis=1)
    denom = jnp.maximum(jnp.linalg.norm(fc_w1, axis=1) * jnp.linalg.norm(fc_w2, axis=1), eps)
    sim = jnp.abs(num / denom)
    sim = jnp.clip(sim, 1e-4, 0.9999)
    weight_sim_loss = -jnp.sum(jnp.log(jnp.ones_like(sim) - sim)) / nc
    return loss + 100.0 * weight_sim_loss

if __name__ == "__main__":
    import jax
    _d = setup_inputs()
    print(jax.jit(kernel)(*tuple(_d.values())))

</pallas_src>

<mosaic_0001>
#map = affine_map<(d0, d1) -> (0)>
module attributes {stable_mosaic.version = 14 : i64} {
  func.func @_gather_body(%arg0: i32, %arg1: i32, %arg2: memref<16384000xf32, #tpu.memory_space<hbm>>, %arg3: memref<16384xi32, #tpu.memory_space<hbm>>, %arg4: memref<16384xf32, #tpu.memory_space<hbm>>, %arg5: memref<512xi32, #tpu.memory_space<vmem>>, %arg6: memref<512xi32, #tpu.memory_space<vmem>>, %arg7: memref<512xf32, #tpu.memory_space<vmem>>, %arg8: memref<!tpu.dma_semaphore, #tpu.memory_space<semaphore_mem>>) attributes {dimension_semantics = [#tpu.dimension_semantics<core_parallel>, #tpu.dimension_semantics<subcore_parallel>], iteration_bounds = array<i64: 2, 16>, scalar_prefetch = 0 : i64, scratch_operands = 4 : i64, tpu.core_type = #tpu.core_type<sc_vector_subcore>, window_params = [{transform_indices = #map}, {transform_indices = #map}, {transform_indices = #map}]} {
    %mul3A = arith.constant 2 : i32
    %mul3A_0 = arith.muli %arg1, %mul3A : i32
    %add3A = arith.addi %mul3A_0, %arg0 : i32
    %mul3A_1 = arith.constant 512 : i32
    %mul3A_2 = arith.muli %add3A, %mul3A_1 : i32
    "tpu.region"() ({
      %run_scoped3A = tpu.sem_alloc : memref<!tpu.dma_semaphore, #tpu.memory_space<semaphore_mem>>
      %dma_start3A_54 = tpu.memref_slice %arg3[%mul3A_2] : memref<16384xi32, #tpu.memory_space<hbm>> -> memref<512xi32, #tpu.memory_space<hbm>>
      %dma_start3A_55 = tpu.memref_slice %arg3[%mul3A_2] : memref<16384xi32, #tpu.memory_space<hbm>> -> memref<512xi32, #tpu.memory_space<hbm>>
      tpu.enqueue_dma source(%dma_start3A_55 : memref<512xi32, #tpu.memory_space<hbm>>) target(%arg5 : memref<512xi32, #tpu.memory_space<vmem>>) target_semaphore(%run_scoped3A : memref<!tpu.dma_semaphore, #tpu.memory_space<semaphore_mem>>)
      %dma_wait3A_56 = tpu.memref_slice %arg3[%mul3A_2] : memref<16384xi32, #tpu.memory_space<hbm>> -> memref<512xi32, #tpu.memory_space<hbm>>
      %dma_wait3A_57 = tpu.memref_slice %arg3[%mul3A_2] : memref<16384xi32, #tpu.memory_space<hbm>> -> memref<512xi32, #tpu.memory_space<hbm>>
      tpu.wait_dma2 semaphore(%run_scoped3A : memref<!tpu.dma_semaphore, #tpu.memory_space<semaphore_mem>>) src(%dma_wait3A_57 : memref<512xi32, #tpu.memory_space<hbm>>) dst(%arg5 : memref<512xi32, #tpu.memory_space<vmem>>)
      tpu.yield
    }) : () -> ()
    %scan3A = arith.constant 0 : i32
    %scan3A_3 = arith.constant 0 : i32
    %scan3A_4 = arith.constant 32 : i32
    %scan3A_5 = arith.addi %scan3A_3, %scan3A_4 : i32
    %scan3A_6 = arith.constant 1 : i32
    scf.for %scan3A_54 = %scan3A_3 to %scan3A_5 step %scan3A_6  : i32 {
      %mul3A_55 = arith.constant 16 : i32
      %mul3A_56 = arith.muli %scan3A_54, %mul3A_55 : i32
      %get3A = arith.index_cast %mul3A_56 : i32 to index
      %get3A_57 = tpu.vector_load %arg5[%get3A] {strides = array<i32>} : memref<512xi32, #tpu.memory_space<vmem>>, vector<16xi32>,
      %get3A_58 = vector.shape_cast %get3A_57 : vector<16xi32> to vector<16xi32>
      %iota3A = tpu.iota {dimensions = array<i32: 0>} : vector<16xi32>
      %mul3A_59 = arith.constant 16 : i32
      %mul3A_60 = arith.muli %scan3A_54, %mul3A_59 : i32
      %add3A_61 = arith.addi %mul3A_2, %mul3A_60 : i32
      %add3A_62 = vector.broadcast %add3A_61 : i32 to vector<16xi32>
      %add3A_63 = arith.addi %iota3A, %add3A_62 : vector<16xi32>
      %mul3A_64 = arith.constant 1000 : i32
      %mul3A_65 = vector.broadcast %mul3A_64 : i32 to vector<16xi32>
      %mul3A_66 = arith.muli %add3A_63, %mul3A_65 : vector<16xi32>
      %add3A_67 = arith.addi %mul3A_66, %get3A_58 : vector<16xi32>
      %mul3A_68 = arith.constant 16 : i32
      %mul3A_69 = arith.muli %scan3A_54, %mul3A_68 : i32
      %swap3A = arith.index_cast %mul3A_69 : i32 to index
      %swap3A_70 = tpu.vector_load %arg6[%swap3A] {strides = array<i32>} : memref<512xi32, #tpu.memory_space<vmem>>, vector<16xi32>,
      %swap3A_71 = vector.shape_cast %swap3A_70 : vector<16xi32> to vector<16xi32>
      %swap3A_72 = vector.shape_cast %add3A_67 : vector<16xi32> to vector<16xi32>
      tpu.vector_store %arg6[%swap3A], %swap3A_72 {strides = array<i32>} : memref<512xi32, #tpu.memory_space<vmem>>, vector<16xi32>,
    }
    %scan3A_7 = arith.constant 32 : i32
    %dma_start3A = arith.constant 0 : i32
    %dma_start3A_8 = tpu.memref_slice %arg7[%dma_start3A] : memref<512xf32, #tpu.memory_space<vmem>> -> memref<128xf32, #tpu.memory_space<vmem>>
    %dma_start3A_9 = arith.constant 0 : i32
    %dma_start3A_10 = tpu.memref_slice %arg6[%dma_start3A_9] : memref<512xi32, #tpu.memory_space<vmem>> -> memref<128xi32, #tpu.memory_space<vmem>>
    %dma_start3A_11 = arith.constant 0 : i32
    %dma_start3A_12 = tpu.memref_slice %arg2[%dma_start3A_11] : memref<16384000xf32, #tpu.memory_space<hbm>> -> memref<16384000xf32, #tpu.memory_space<hbm>>
    tpu.enqueue_indirect_dma source(%dma_start3A_12 : memref<16384000xf32, #tpu.memory_space<hbm>>) target(%dma_start3A_8 : memref<128xf32, #tpu.memory_space<vmem>>) offsets(%dma_start3A_10 : memref<128xi32, #tpu.memory_space<vmem>>) semaphore(%arg8 : memref<!tpu.dma_semaphore, #tpu.memory_space<semaphore_mem>>)
    %dma_start3A_13 = arith.constant 128 : i32
    %dma_start3A_14 = tpu.memref_slice %arg7[%dma_start3A_13] : memref<512xf32, #tpu.memory_space<vmem>> -> memref<128xf32, #tpu.memory_space<vmem>>
    %dma_start3A_15 = arith.constant 128 : i32
    %dma_start3A_16 = tpu.memref_slice %arg6[%dma_start3A_15] : memref<512xi32, #tpu.memory_space<vmem>> -> memref<128xi32, #tpu.memory_space<vmem>>
    %dma_start3A_17 = arith.constant 0 : i32
    %dma_start3A_18 = tpu.memref_slice %arg2[%dma_start3A_17] : memref<16384000xf32, #tpu.memory_space<hbm>> -> memref<16384000xf32, #tpu.memory_space<hbm>>
    tpu.enqueue_indirect_dma source(%dma_start3A_18 : memref<16384000xf32, #tpu.memory_space<hbm>>) target(%dma_start3A_14 : memref<128xf32, #tpu.memory_space<vmem>>) offsets(%dma_start3A_16 : memref<128xi32, #tpu.memory_space<vmem>>) semaphore(%arg8 : memref<!tpu.dma_semaphore, #tpu.memory_space<semaphore_mem>>)
    %dma_start3A_19 = arith.constant 256 : i32
    %dma_start3A_20 = tpu.memref_slice %arg7[%dma_start3A_19] : memref<512xf32, #tpu.memory_space<vmem>> -> memref<128xf32, #tpu.memory_space<vmem>>
    %dma_start3A_21 = arith.constant 256 : i32
    %dma_start3A_22 = tpu.memref_slice %arg6[%dma_start3A_21] : memref<512xi32, #tpu.memory_space<vmem>> -> memref<128xi32, #tpu.memory_space<vmem>>
    %dma_start3A_23 = arith.constant 0 : i32
    %dma_start3A_24 = tpu.memref_slice %arg2[%dma_start3A_23] : memref<16384000xf32, #tpu.memory_space<hbm>> -> memref<16384000xf32, #tpu.memory_space<hbm>>
    tpu.enqueue_indirect_dma source(%dma_start3A_24 : memref<16384000xf32, #tpu.memory_space<hbm>>) target(%dma_start3A_20 : memref<128xf32, #tpu.memory_space<vmem>>) offsets(%dma_start3A_22 : memref<128xi32, #tpu.memory_space<vmem>>) semaphore(%arg8 : memref<!tpu.dma_semaphore, #tpu.memory_space<semaphore_mem>>)
    %dma_start3A_25 = arith.constant 384 : i32
    %dma_start3A_26 = tpu.memref_slice %arg7[%dma_start3A_25] : memref<512xf32, #tpu.memory_space<vmem>> -> memref<128xf32, #tpu.memory_space<vmem>>
    %dma_start3A_27 = arith.constant 384 : i32
    %dma_start3A_28 = tpu.memref_slice %arg6[%dma_start3A_27] : memref<512xi32, #tpu.memory_space<vmem>> -> memref<128xi32, #tpu.memory_space<vmem>>
    %dma_start3A_29 = arith.constant 0 : i32
    %dma_start3A_30 = tpu.memref_slice %arg2[%dma_start3A_29] : memref<16384000xf32, #tpu.memory_space<hbm>> -> memref<16384000xf32, #tpu.memory_space<hbm>>
    tpu.enqueue_indirect_dma source(%dma_start3A_30 : memref<16384000xf32, #tpu.memory_space<hbm>>) target(%dma_start3A_26 : memref<128xf32, #tpu.memory_space<vmem>>) offsets(%dma_start3A_28 : memref<128xi32, #tpu.memory_space<vmem>>) semaphore(%arg8 : memref<!tpu.dma_semaphore, #tpu.memory_space<semaphore_mem>>)
    %dma_wait3A = arith.constant 0 : i32
    %dma_wait3A_31 = tpu.memref_slice %arg7[%dma_wait3A] : memref<512xf32, #tpu.memory_space<vmem>> -> memref<128xf32, #tpu.memory_space<vmem>>
    %dma_wait3A_32 = arith.constant 0 : i32
    %dma_wait3A_33 = tpu.memref_slice %arg6[%dma_wait3A_32] : memref<512xi32, #tpu.memory_space<vmem>> -> memref<128xi32, #tpu.memory_space<vmem>>
    %dma_wait3A_34 = arith.constant 0 : i32
    %dma_wait3A_35 = tpu.memref_slice %arg2[%dma_wait3A_34] : memref<16384000xf32, #tpu.memory_space<hbm>> -> memref<16384000xf32, #tpu.memory_space<hbm>>
    tpu.wait_indirect_dma semaphore(%arg8 : memref<!tpu.dma_semaphore, #tpu.memory_space<semaphore_mem>>) src(%dma_wait3A_35 : memref<16384000xf32, #tpu.memory_space<hbm>>) dst(%dma_wait3A_31 : memref<128xf32, #tpu.memory_space<vmem>>)
    %dma_wait3A_36 = arith.constant 128 : i32
    %dma_wait3A_37 = tpu.memref_slice %arg7[%dma_wait3A_36] : memref<512xf32, #tpu.memory_space<vmem>> -> memref<128xf32, #tpu.memory_space<vmem>>
    %dma_wait3A_38 = arith.constant 128 : i32
    %dma_wait3A_39 = tpu.memref_slice %arg6[%dma_wait3A_38] : memref<512xi32, #tpu.memory_space<vmem>> -> memref<128xi32, #tpu.memory_space<vmem>>
    %dma_wait3A_40 = arith.constant 0 : i32
    %dma_wait3A_41 = tpu.memref_slice %arg2[%dma_wait3A_40] : memref<16384000xf32, #tpu.memory_space<hbm>> -> memref<16384000xf32, #tpu.memory_space<hbm>>
    tpu.wait_indirect_dma semaphore(%arg8 : memref<!tpu.dma_semaphore, #tpu.memory_space<semaphore_mem>>) src(%dma_wait3A_41 : memref<16384000xf32, #tpu.memory_space<hbm>>) dst(%dma_wait3A_37 : memref<128xf32, #tpu.memory_space<vmem>>)
    %dma_wait3A_42 = arith.constant 256 : i32
    %dma_wait3A_43 = tpu.memref_slice %arg7[%dma_wait3A_42] : memref<512xf32, #tpu.memory_space<vmem>> -> memref<128xf32, #tpu.memory_space<vmem>>
    %dma_wait3A_44 = arith.constant 256 : i32
    %dma_wait3A_45 = tpu.memref_slice %arg6[%dma_wait3A_44] : memref<512xi32, #tpu.memory_space<vmem>> -> memref<128xi32, #tpu.memory_space<vmem>>
    %dma_wait3A_46 = arith.constant 0 : i32
    %dma_wait3A_47 = tpu.memref_slice %arg2[%dma_wait3A_46] : memref<16384000xf32, #tpu.memory_space<hbm>> -> memref<16384000xf32, #tpu.memory_space<hbm>>
    tpu.wait_indirect_dma semaphore(%arg8 : memref<!tpu.dma_semaphore, #tpu.memory_space<semaphore_mem>>) src(%dma_wait3A_47 : memref<16384000xf32, #tpu.memory_space<hbm>>) dst(%dma_wait3A_43 : memref<128xf32, #tpu.memory_space<vmem>>)
    %dma_wait3A_48 = arith.constant 384 : i32
    %dma_wait3A_49 = tpu.memref_slice %arg7[%dma_wait3A_48] : memref<512xf32, #tpu.memory_space<vmem>> -> memref<128xf32, #tpu.memory_space<vmem>>
    %dma_wait3A_50 = arith.constant 384 : i32
    %dma_wait3A_51 = tpu.memref_slice %arg6[%dma_wait3A_50] : memref<512xi32, #tpu.memory_space<vmem>> -> memref<128xi32, #tpu.memory_space<vmem>>
    %dma_wait3A_52 = arith.constant 0 : i32
    %dma_wait3A_53 = tpu.memref_slice %arg2[%dma_wait3A_52] : memref<16384000xf32, #tpu.memory_space<hbm>> -> memref<16384000xf32, #tpu.memory_space<hbm>>
    tpu.wait_indirect_dma semaphore(%arg8 : memref<!tpu.dma_semaphore, #tpu.memory_space<semaphore_mem>>) src(%dma_wait3A_53 : memref<16384000xf32, #tpu.memory_space<hbm>>) dst(%dma_wait3A_49 : memref<128xf32, #tpu.memory_space<vmem>>)
    "tpu.region"() ({
      %run_scoped3A = tpu.sem_alloc : memref<!tpu.dma_semaphore, #tpu.memory_space<semaphore_mem>>
      %dma_start3A_54 = tpu.memref_slice %arg4[%mul3A_2] : memref<16384xf32, #tpu.memory_space<hbm>> -> memref<512xf32, #tpu.memory_space<hbm>>
      %dma_start3A_55 = tpu.memref_slice %arg4[%mul3A_2] : memref<16384xf32, #tpu.memory_space<hbm>> -> memref<512xf32, #tpu.memory_space<hbm>>
      tpu.enqueue_dma source(%arg7 : memref<512xf32, #tpu.memory_space<vmem>>) target(%dma_start3A_55 : memref<512xf32, #tpu.memory_space<hbm>>) target_semaphore(%run_scoped3A : memref<!tpu.dma_semaphore, #tpu.memory_space<semaphore_mem>>)
      %dma_wait3A_56 = tpu.memref_slice %arg4[%mul3A_2] : memref<16384xf32, #tpu.memory_space<hbm>> -> memref<512xf32, #tpu.memory_space<hbm>>
      %dma_wait3A_57 = tpu.memref_slice %arg4[%mul3A_2] : memref<16384xf32, #tpu.memory_space<hbm>> -> memref<512xf32, #tpu.memory_space<hbm>>
      tpu.wait_dma2 semaphore(%run_scoped3A : memref<!tpu.dma_semaphore, #tpu.memory_space<semaphore_mem>>) src(%arg7 : memref<512xf32, #tpu.memory_space<vmem>>) dst(%dma_wait3A_57 : memref<512xf32, #tpu.memory_space<hbm>>)
      tpu.yield
    }) : () -> ()
    return
  }
}

module attributes {stable_mosaic.version = 14 : i64} {
  func.func @_loss_body(%arg0: i32, %arg1: memref<1024x1000xf32, #tpu.memory_space<vmem>>, %arg2: memref<128x128xf32, #tpu.memory_space<vmem>>, %arg3: memref<1000x128xf32, #tpu.memory_space<vmem>>, %arg4: memref<1000x128xf32, #tpu.memory_space<vmem>>, %arg5: memref<1x1xf32, #tpu.memory_space<smem>>, %arg6: memref<2xf32, #tpu.memory_space<smem>>) attributes {dimension_semantics = [#tpu.dimension_semantics<arbitrary>], iteration_bounds = array<i64: 16>, scalar_prefetch = 0 : i64, scratch_operands = 1 : i64, tpu.core_type = #tpu.core_type<tc>, window_params = [{transform_indices = @transform_0, window_bounds = array<i64: 1024, 1000>}, {pipeline_mode = #tpu.pipeline_mode<synchronous>, transform_indices = @transform_1, window_bounds = array<i64: 128, 128>}, {pipeline_mode = #tpu.pipeline_mode<synchronous>, transform_indices = @transform_2, window_bounds = array<i64: 1000, 128>}, {pipeline_mode = #tpu.pipeline_mode<synchronous>, transform_indices = @transform_3, window_bounds = array<i64: 1000, 128>}, {transform_indices = @transform_4, window_bounds = array<i64: 1, 1>}]} {
    %get3A = arith.constant 0 : index
    %get3A_0 = arith.constant 0 : index
    %get3A_1 = vector.load %arg1[%get3A, %get3A_0] : memref<1024x1000xf32, #tpu.memory_space<vmem>>, vector<1024x1000xf32>
    %log3A = math.log %get3A_1 : vector<1024x1000xf32>
    %max3A = arith.constant -1.000000e+02 : f32
    %max3A_2 = vector.broadcast %max3A : f32 to vector<1024x1000xf32>
    %max3A_3 = arith.maximumf %log3A, %max3A_2 : vector<1024x1000xf32>
    %sub3A = arith.constant 1.000000e+00 : f32
    %sub3A_4 = vector.broadcast %sub3A : f32 to vector<1024x1000xf32>
    %sub3A_5 = arith.subf %sub3A_4, %get3A_1 : vector<1024x1000xf32>
    %log3A_6 = math.log %sub3A_5 : vector<1024x1000xf32>
    %max3A_7 = arith.constant -1.000000e+02 : f32
    %max3A_8 = vector.broadcast %max3A_7 : f32 to vector<1024x1000xf32>
    %max3A_9 = arith.maximumf %log3A_6, %max3A_8 : vector<1024x1000xf32>
    %reduce_sum3A = vector.shape_cast %max3A_3 : vector<1024x1000xf32> to vector<1x1024x1000xf32>
    %reduce_sum3A_10 = arith.constant dense<0.000000e+00> : vector<1xf32>
    %reduce_sum3A_11 = vector.multi_reduction <add>, %reduce_sum3A, %reduce_sum3A_10 [1, 2] : vector<1x1024x1000xf32> to vector<1xf32>
    %reduce_sum3A_12 = vector.shape_cast %reduce_sum3A_11 : vector<1xf32> to vector<1x1x1xf32>
    %reduce_sum3A_13 = vector.extract %reduce_sum3A_12[0, 0, 0] : f32 from vector<1x1x1xf32>
    %reduce_sum3A_14 = vector.shape_cast %max3A_9 : vector<1024x1000xf32> to vector<1x1024x1000xf32>
    %reduce_sum3A_15 = arith.constant dense<0.000000e+00> : vector<1xf32>
    %reduce_sum3A_16 = vector.multi_reduction <add>, %reduce_sum3A_14, %reduce_sum3A_15 [1, 2] : vector<1x1024x1000xf32> to vector<1xf32>
    %reduce_sum3A_17 = vector.shape_cast %reduce_sum3A_16 : vector<1xf32> to vector<1x1x1xf32>
    %reduce_sum3A_18 = vector.extract %reduce_sum3A_17[0, 0, 0] : f32 from vector<1x1x1xf32>
    %eq3A = arith.constant 0 : i32
    %eq3A_19 = arith.cmpi eq, %arg0, %eq3A : i32
    %convert_element_type3A = arith.extui %eq3A_19 : i1 to i32
    %cond3A = arith.constant 0 : i32
    %cond3A_20 = arith.cmpi ne, %convert_element_type3A, %cond3A : i32
    scf.if %cond3A_20 {
      %swap3A = arith.constant 0 : index
      %swap3A_30 = memref.load %arg6[%swap3A] : memref<2xf32, #tpu.memory_space<smem>>
      memref.store %reduce_sum3A_13, %arg6[%swap3A] : memref<2xf32, #tpu.memory_space<smem>>
      %swap3A_31 = arith.constant 1 : index
      %swap3A_32 = memref.load %arg6[%swap3A_31] : memref<2xf32, #tpu.memory_space<smem>>
      memref.store %reduce_sum3A_18, %arg6[%swap3A_31] : memref<2xf32, #tpu.memory_space<smem>>
    } else {
    }
    %gt3A = arith.constant 0 : i32
    %gt3A_21 = arith.cmpi sgt, %arg0, %gt3A : i32
    %convert_element_type3A_22 = arith.extui %gt3A_21 : i1 to i32
    %cond3A_23 = arith.constant 0 : i32
    %cond3A_24 = arith.cmpi ne, %convert_element_type3A_22, %cond3A_23 : i32
    scf.if %cond3A_24 {
      %get3A_30 = arith.constant 0 : index
      %get3A_31 = memref.load %arg6[%get3A_30] : memref<2xf32, #tpu.memory_space<smem>>
      %add3A = arith.addf %get3A_31, %reduce_sum3A_13 : f32
      %swap3A = arith.constant 0 : index
      %swap3A_32 = memref.load %arg6[%swap3A] : memref<2xf32, #tpu.memory_space<smem>>
      memref.store %add3A, %arg6[%swap3A] : memref<2xf32, #tpu.memory_space<smem>>
      %get3A_33 = arith.constant 1 : index
      %get3A_34 = memref.load %arg6[%get3A_33] : memref<2xf32, #tpu.memory_space<smem>>
      %add3A_35 = arith.addf %get3A_34, %reduce_sum3A_18 : f32
      %swap3A_36 = arith.constant 1 : index
      %swap3A_37 = memref.load %arg6[%swap3A_36] : memref<2xf32, #tpu.memory_space<smem>>
      memref.store %add3A_35, %arg6[%swap3A_36] : memref<2xf32, #tpu.memory_space<smem>>
    } else {
    }
    %eq3A_25 = arith.constant 15 : i32
    %eq3A_26 = arith.cmpi eq, %arg0, %eq3A_25 : i32
    %convert_element_type3A_27 = arith.extui %eq3A_26 : i1 to i32
    %cond3A_28 = arith.constant 0 : i32
    %cond3A_29 = arith.cmpi ne, %convert_element_type3A_27, %cond3A_28 : i32
    scf.if %cond3A_29 {
      %get3A_30 = arith.constant 0 : index
      %get3A_31 = arith.constant 0 : index
      %get3A_32 = vector.load %arg2[%get3A_30, %get3A_31] : memref<128x128xf32, #tpu.memory_space<vmem>>, vector<128x128xf32>
      %log3A_33 = math.log %get3A_32 : vector<128x128xf32>
      %max3A_34 = arith.constant -1.000000e+02 : f32
      %max3A_35 = vector.broadcast %max3A_34 : f32 to vector<128x128xf32>
      %max3A_36 = arith.maximumf %log3A_33, %max3A_35 : vector<128x128xf32>
      %sub3A_37 = arith.constant 1.000000e+00 : f32
      %sub3A_38 = vector.broadcast %sub3A_37 : f32 to vector<128x128xf32>
      %sub3A_39 = arith.subf %sub3A_38, %get3A_32 : vector<128x128xf32>
      %log3A_40 = math.log %sub3A_39 : vector<128x128xf32>
      %max3A_41 = arith.constant -1.000000e+02 : f32
      %max3A_42 = vector.broadcast %max3A_41 : f32 to vector<128x128xf32>
      %max3A_43 = arith.maximumf %log3A_40, %max3A_42 : vector<128x128xf32>
      %sub3A_44 = arith.subf %max3A_36, %max3A_43 : vector<128x128xf32>
      %reduce_sum3A_45 = vector.shape_cast %sub3A_44 : vector<128x128xf32> to vector<1x128x128xf32>
      %reduce_sum3A_46 = arith.constant dense<0.000000e+00> : vector<1xf32>
      %reduce_sum3A_47 = vector.multi_reduction <add>, %reduce_sum3A_45, %reduce_sum3A_46 [1, 2] : vector<1x128x128xf32> to vector<1xf32>
      %reduce_sum3A_48 = vector.shape_cast %reduce_sum3A_47 : vector<1xf32> to vector<1x1x1xf32>
      %reduce_sum3A_49 = vector.extract %reduce_sum3A_48[0, 0, 0] : f32 from vector<1x1x1xf32>
      %get3A_50 = arith.constant 0 : index
      %get3A_51 = arith.constant 0 : index
      %get3A_52 = vector.load %arg3[%get3A_50, %get3A_51] : memref<1000x128xf32, #tpu.memory_space<vmem>>, vector<1000x128xf32>
      %get3A_53 = arith.constant 0 : index
      %get3A_54 = arith.constant 0 : index
      %get3A_55 = vector.load %arg4[%get3A_53, %get3A_54] : memref<1000x128xf32, #tpu.memory_space<vmem>>, vector<1000x128xf32>
      %mul3A = arith.mulf %get3A_52, %get3A_55 : vector<1000x128xf32>
      %reduce_sum3A_56 = arith.constant dense<0.000000e+00> : vector<1000xf32>
      %reduce_sum3A_57 = vector.multi_reduction <add>, %mul3A, %reduce_sum3A_56 [1] : vector<1000x128xf32> to vector<1000xf32>
      %broadcast_in_dim3A = vector.shape_cast %reduce_sum3A_57 : vector<1000xf32> to vector<1000x1xf32>
      %mul3A_58 = arith.mulf %get3A_52, %get3A_52 : vector<1000x128xf32>
      %reduce_sum3A_59 = arith.constant dense<0.000000e+00> : vector<1000xf32>
      %reduce_sum3A_60 = vector.multi_reduction <add>, %mul3A_58, %reduce_sum3A_59 [1] : vector<1000x128xf32> to vector<1000xf32>
      %broadcast_in_dim3A_61 = vector.shape_cast %reduce_sum3A_60 : vector<1000xf32> to vector<1000x1xf32>
      %sqrt3A = math.sqrt %broadcast_in_dim3A_61 : vector<1000x1xf32>
      %mul3A_62 = arith.mulf %get3A_55, %get3A_55 : vector<1000x128xf32>
      %reduce_sum3A_63 = arith.constant dense<0.000000e+00> : vector<1000xf32>
      %reduce_sum3A_64 = vector.multi_reduction <add>, %mul3A_62, %reduce_sum3A_63 [1] : vector<1000x128xf32> to vector<1000xf32>
      %broadcast_in_dim3A_65 = vector.shape_cast %reduce_sum3A_64 : vector<1000xf32> to vector<1000x1xf32>
      %sqrt3A_66 = math.sqrt %broadcast_in_dim3A_65 : vector<1000x1xf32>
      %mul3A_67 = arith.mulf %sqrt3A, %sqrt3A_66 : vector<1000x1xf32>
      %max3A_68 = arith.constant 9.99999993E-9 : f32
      %max3A_69 = vector.broadcast %max3A_68 : f32 to vector<1000x1xf32>
      %max3A_70 = arith.maximumf %mul3A_67, %max3A_69 : vector<1000x1xf32>
      %div3A = arith.divf %broadcast_in_dim3A, %max3A_70 : vector<1000x1xf32>
      %abs3A = math.absf %div3A : vector<1000x1xf32>
      %jit3A = arith.constant 9.99999974E-5 : f32
      %jit3A_71 = arith.constant 0.999899983 : f32
      %max3A_72 = vector.broadcast %jit3A : f32 to vector<1000x1xf32>
      %max3A_73 = arith.maximumf %max3A_72, %abs3A : vector<1000x1xf32>
      %min3A = vector.broadcast %jit3A_71 : f32 to vector<1000x1xf32>
      %min3A_74 = arith.minimumf %min3A, %max3A_73 : vector<1000x1xf32>
      %sub3A_75 = arith.constant 1.000000e+00 : f32
      %sub3A_76 = vector.broadcast %sub3A_75 : f32 to vector<1000x1xf32>
      %sub3A_77 = arith.subf %sub3A_76, %min3A_74 : vector<1000x1xf32>
      %log3A_78 = math.log %sub3A_77 : vector<1000x1xf32>
      %reduce_sum3A_79 = vector.shape_cast %log3A_78 : vector<1000x1xf32> to vector<1x1000x1xf32>
      %reduce_sum3A_80 = arith.constant dense<0.000000e+00> : vector<1xf32>
      %reduce_sum3A_81 = vector.multi_reduction <add>, %reduce_sum3A_79, %reduce_sum3A_80 [1, 2] : vector<1x1000x1xf32> to vector<1xf32>
      %reduce_sum3A_82 = vector.shape_cast %reduce_sum3A_81 : vector<1xf32> to vector<1x1x1xf32>
      %reduce_sum3A_83 = vector.extract %reduce_sum3A_82[0, 0, 0] : f32 from vector<1x1x1xf32>
      %neg3A = arith.constant 0.000000e+00 : f32
      %neg3A_84 = arith.subf %neg3A, %reduce_sum3A_83 : f32
      %mul3A_85 = arith.constant 1.000000e-03 : f32
      %mul3A_86 = arith.mulf %neg3A_84, %mul3A_85 : f32
      %get3A_87 = arith.constant 0 : index
      %get3A_88 = memref.load %arg6[%get3A_87] : memref<2xf32, #tpu.memory_space<smem>>
      %mul3A_89 = arith.constant 9.99999974E-5 : f32
      %mul3A_90 = arith.mulf %mul3A_89, %get3A_88 : f32
      %get3A_91 = arith.constant 1 : index
      %get3A_92 = memref.load %arg6[%get3A_91] : memref<2xf32, #tpu.memory_space<smem>>
      %mul3A_93 = arith.constant 0.999899983 : f32
      %mul3A_94 = arith.mulf %mul3A_93, %get3A_92 : f32
      %add3A = arith.addf %mul3A_90, %mul3A_94 : f32
      %mul3A_95 = arith.constant 0.899999976 : f32
      %mul3A_96 = arith.mulf %mul3A_95, %reduce_sum3A_49 : f32
      %add3A_97 = arith.addf %add3A, %mul3A_96 : f32
      %neg3A_98 = arith.constant 0.000000e+00 : f32
      %neg3A_99 = arith.subf %neg3A_98, %add3A_97 : f32
      %div3A_100 = arith.constant 1.638400e+07 : f32
      %div3A_101 = arith.divf %neg3A_99, %div3A_100 : f32
      %mul3A_102 = arith.constant 1.000000e+02 : f32
      %mul3A_103 = arith.mulf %mul3A_102, %mul3A_86 : f32
      %add3A_104 = arith.addf %div3A_101, %mul3A_103 : f32
      %swap3A = arith.constant 0 : index
      %swap3A_105 = arith.constant 0 : index
      %swap3A_106 = memref.load %arg5[%swap3A, %swap3A_105] : memref<1x1xf32, #tpu.memory_space<smem>>
      memref.store %add3A_104, %arg5[%swap3A, %swap3A_105] : memref<1x1xf32, #tpu.memory_space<smem>>
    } else {
    }
    return
  }
  func.func @transform_0(%arg0: i32) -> (i32, i32) {
    %c0_i32 = arith.constant 0 : i32
    %c0_i32_0 = arith.constant 0 : i32
    return %arg0, %c0_i32 : i32, i32
  }
  func.func @transform_1(%arg0: i32) -> (i32, i32) {
    %c0_i32 = arith.constant 0 : i32
    %c0_i32_0 = arith.constant 0 : i32
    %c0_i32_1 = arith.constant 0 : i32
    return %c0_i32, %c0_i32_0 : i32, i32
  }
  func.func @transform_2(%arg0: i32) -> (i32, i32) {
    %c0_i32 = arith.constant 0 : i32
    %c0_i32_0 = arith.constant 0 : i32
    %c0_i32_1 = arith.constant 0 : i32
    return %c0_i32, %c0_i32_0 : i32, i32
  }
  func.func @transform_3(%arg0: i32) -> (i32, i32) {
    %c0_i32 = arith.constant 0 : i32
    %c0_i32_0 = arith.constant 0 : i32
    %c0_i32_1 = arith.constant 0 : i32
    return %c0_i32, %c0_i32_0 : i32, i32
  }
  func.func @transform_4(%arg0: i32) -> (i32, i32) {
    %c0_i32 = arith.constant 0 : i32
    %c0_i32_0 = arith.constant 0 : i32
    %c0_i32_1 = arith.constant 0 : i32
    return %c0_i32, %c0_i32_0 : i32, i32
  }
}

</mosaic_0001>

<sc_bundles>
// kernel: kernel.4.cloned.1.call-start
scs
__scs_entry_jumppad:
0x0: {  	(pc) =	sbr.rel $0x88, $3  }
0x1: {  	(tag) =	ssettag $0x0;
	lr =	simm.s32 $0x1  }
0x2: {  	[smem:$0x3F9D] =	sst lr;
	_ =	strace $0xD0000000  }
0x3: {  	_ = 	snop  }
0x4: {  	_ = 	snop  }
0x5: {  	_ = 	snop  }
0x6: {  	_ = 	snop  }
0x7: {  	_ = 	snop  }
__scs_overlays_trampoline_lowered:
0x8: {  	[smem:$0x3FAC] =	sst s0  }
0x9: {  	[smem:$0x3FAD] =	sst s1  }
0xa: {  	[smem:$0x3FAE] =	sst s2  }
0xb: {  	[smem:$0x3FAF] =	sst s3  }
0xc: {  	[smem:$0x3FB0] =	sst s4  }
0xd: {  	[smem:$0x3FB1] =	sst s5  }
0xe: {  	[smem:$0x3FB2] =	sst s6  }
0xf: {  	[smem:$0x3FB3] =	sst s7  }
0x10: {  	[smem:$0x3FB4] =	sst s8  }
0x11: {  	[smem:$0x3FB5] =	sst s9;
	s0 =	simm.s32 @!p0 $0x0  }
0x12: {  	s1 =	sld [smem:$0x3F9B];
	s0 =	simm.s32 @p0 $0x1  }
0x13: {  	[smem:$0x3FB6] =	sst s0;
	s0 =	simm.s32 @!p1 $0x0  }
0x14: {  	s2 =	sld [smem:$0x3F9A];
	s0 =	simm.s32 @p1 $0x1  }
0x15: {  	[smem:$0x3FB7] =	sst s0;
	s0 =	simm.s32 @!p2 $0x0  }
0x16: {  	s3 =	sld [smem:$0x3FDB];
	s0 =	simm.s32 @p2 $0x1  }
0x17: {  	s4 =	simm.s32 $0x1BF5;
	[smem:$0x3FB9] =	sst s0  }
0x18: {  	s0 =	sld [smem:$0x3F9C];
	_ =	swait.ge [sflag:s4], $0x0  }
0x19: {  	s7 =	sld [smem:$0x3F9D]  }
0x1a: {  	s8 =	sadd.s32 $0xFFFFE003, lr  }
0x1b: {  	s9 =	sadd.s32 $0xFFFFFEF7, lr;
	s5 =	simm.s32 $0xFFFFFFFF;
	p2 =	slt.u32 s8, $0xFFFFF086  }
0x1c: {  	p1 =	slt.u32 s9, $0xF7A;
	s5 =	simm.s32 @!p2 $0x0  }
0x1d: {  	s5 =	simm.s32 @p1 $0x1;
	p0 =	seq.s32 s7, s2  }
0x1e: {  	s7 =	smul.u32 @!p0 $0xF7A, s2;
	p2 =	seq.s32 @!p0 s5, $0x0  }
0x1f: {  	s9 =	smul.u32 $0xF7A, s1;
	s8 =	simm.s32 @!p0 $0x1BF5;
	p2 =	por !p2, p0  }
0x20: {  	[sflag:s8] =	ssyncset.s32 @!p0 $0xFFFFF086;
	s6 =	sadd.s32 @!p0 s3, s7;
	s7 =	simm.s32 @!p0 $0x108  }
0x21: {  	s3 =	sadd.s32 s3, s9;
	s6 =	sadd.s32 @!p0 $0x88, s6;
	s7 =	simm.s32 @p2 $0x1082  }
0x22: {  	[simem:s7], [sflag:s8] =	dma.local @!p0 [hbm:s6], $0xF7A  }
0x23: {  	s9 =	sor.u32 $0xD0000000, s2;
	s6 =	simm.s32 $0x108;
	_ =	swait.ge @!p0 [sflag:s8], $0x0  }
0x24: {  	s3 =	sadd.s32 $0x88, s3;
	s6 =	simm.s32 @!p1 $0x1082;
	[sflag:s4] =	ssyncset.s32 $0xFFFFF086  }
0x25: {  	[simem:s6], [sflag:s4] =	dma.local [hbm:s3], $0xF7A  }
0x26: {  	[smem:$0x3F9D] =	sst s1;
	(tag) =	ssettag s2;
	_ =	strace s9  }
0x27: {  	s1 =	sld [smem:$0x3FAD]  }
0x28: {  	s2 =	sld [smem:$0x3FAE]  }
0x29: {  	s4 =	sld [smem:$0x3FB0]  }
0x2a: {  	p0 =	seq.s32 s5, $0x0;
	s5 =	sld [smem:$0x3FB1]  }
0x2b: {  	s6 =	sld [smem:$0x3FB2]  }
0x2c: {  	s7 =	sld [smem:$0x3FB3]  }
0x2d: {  	s3 =	simm.s32 $0x108;
	s8 =	sld [smem:$0x3FB4]  }
0x2e: {  	s3 =	simm.s32 @!p0 $0x1082;
	s9 =	sld [smem:$0x3FB5]  }
0x2f: {  	lr =	sadd.s32 s0, s3;
	s0 =	sld [smem:$0x3FAC]  }
0x30: {  	s3 =	sld [smem:$0x3FAF]  }
0x31: {  	[smem:$0x3FB8] =	sst s10  }
0x32: {  	s10 =	sld [smem:$0x3FB6];
	_ =	sdelay $0x3  }
0x33: {  	p0 =	seq.s32 s10, $0x1;
	s10 =	sld [smem:$0x3FB8];
	_ =	sdelay $0x3  }
0x34: {  	[smem:$0x3FB8] =	sst s10  }
0x35: {  	s10 =	sld [smem:$0x3FB7];
	_ =	sdelay $0x3  }
0x36: {  	p1 =	seq.s32 s10, $0x1;
	s10 =	sld [smem:$0x3FB8];
	_ =	sdelay $0x3  }
0x37: {  	[smem:$0x3FB8] =	sst s10  }
0x38: {  	s10 =	sld [smem:$0x3FB9]  }
0x39: {  	_ = 	snop;
	(pc) =	sbr.ind lr, $3  }
0x3a: {  	_ = 	snop  }
0x3b: {  	_ = 	snop  }
0x3c: {  	p2 =	seq.s32 s10, $0x1;
	s10 =	sld [smem:$0x3FB8]  }
0x3d: {  	_ =	shalt  }
0x3e: {  	_ =	shalt  }
0x3f: {  	_ =	shalt  }
0x40: {  	_ =	shalt  }
0x41: {  	_ =	shalt  }
0x42: {  	_ =	shalt  }
0x43: {  	_ =	shalt  }
0x44: {  	_ =	shalt  }
0x45: {  	_ =	shalt  }
0x46: {  	_ =	shalt  }
0x47: {  	_ =	shalt  }
0x48: {  	_ =	shalt  }
0x49: {  	_ =	shalt  }
0x4a: {  	_ =	shalt  }
0x4b: {  	_ =	shalt  }
0x4c: {  	_ =	shalt  }
0x4d: {  	_ =	shalt  }
0x4e: {  	_ =	shalt  }
0x4f: {  	_ =	shalt  }
0x50: {  	_ =	shalt  }
0x51: {  	_ =	shalt  }
0x52: {  	_ =	shalt  }
0x53: {  	_ =	shalt  }
0x54: {  	_ =	shalt  }
0x55: {  	_ =	shalt  }
0x56: {  	_ =	shalt  }
0x57: {  	_ =	shalt  }
0x58: {  	_ =	shalt  }
0x59: {  	_ =	shalt  }
0x5a: {  	_ =	shalt  }
0x5b: {  	_ =	shalt  }
0x5c: {  	_ =	shalt  }
0x5d: {  	_ =	shalt  }
0x5e: {  	_ =	shalt  }
0x5f: {  	_ =	shalt  }
0x60: {  	_ =	shalt  }
0x61: {  	_ =	shalt  }
0x62: {  	_ =	shalt  }
0x63: {  	_ =	shalt  }
0x64: {  	_ =	shalt  }
0x65: {  	_ =	shalt  }
0x66: {  	_ =	shalt  }
0x67: {  	_ =	shalt  }
0x68: {  	_ =	shalt  }
0x69: {  	_ =	shalt  }
0x6a: {  	_ =	shalt  }
0x6b: {  	_ =	shalt  }
0x6c: {  	_ =	shalt  }
0x6d: {  	_ =	shalt  }
0x6e: {  	_ =	shalt  }
0x6f: {  	_ =	shalt  }
0x70: {  	_ =	shalt  }
0x71: {  	_ =	shalt  }
0x72: {  	_ =	shalt  }
0x73: {  	_ =	shalt  }
0x74: {  	_ =	shalt  }
0x75: {  	_ =	shalt  }
0x76: {  	_ =	shalt  }
0x77: {  	_ =	shalt  }
0x78: {  	_ =	shalt  }
0x79: {  	_ =	shalt  }
0x7a: {  	_ =	shalt  }
0x7b: {  	_ =	shalt  }
0x7c: {  	_ =	shalt  }
0x7d: {  	_ =	shalt  }
0x7e: {  	_ =	shalt  }
0x7f: {  	_ =	shalt  }
0x80: {  	_ =	shalt  }
0x81: {  	_ =	shalt  }
0x82: {  	_ =	shalt  }
0x83: {  	_ =	shalt  }
0x84: {  	_ =	shalt  }
0x85: {  	_ =	shalt  }
0x86: {  	_ =	shalt  }
0x87: {  	_ =	shalt  }
.Lfunc_end0:
.L_simem_size_0:
called_computation_lowered:
.L_overlay_start_0:
0x88: {  	s2 =	sld [smem:$0x3FD9]  }
0x89: {  	s3 =	sld [smem:$0x3FFE];
	_ =	sdelay $0x1  }
0x8a: {  	s1 =	srdreg.scid  }
0x8b: {  	s0 =	sand.u32 $0x1, s1  }
0x8c: {  	s17 =	sshll.u32 s0, $0xA;
	s2 =	sadd.s32 s3, s2  }
0x8d: {  	s2 =	sadd.s32 s2, s17  }
0x8e: {  	[smem:$0x3FC4] =	sst s2  }
0x8f: {  	_ = 	snop  }
0x90: {  	s2 =	sld [smem:$0x3FC8];
	(tm) =	ssettm $0x1  }
0x91: {  	s18 =	sld [smem:$0x3FFB];
	_ =	sdelay $0x3  }
0x92: {  	_ =	strace s18  }
0x93: {  	s3 =	sld [smem:$0x3FFC];
	_ =	sdelay $0x3  }
0x94: {  	_ =	strace s3  }
0x95: {  	s3 =	sld [smem:$0x3FFD];
	_ =	sdelay $0x3  }
0x96: {  	_ =	strace s3  }
0x97: {  	_ =	strace $0x8FFFFFFF  }
0x98: {  	s19 =	sld [smem:$0x3FDB];
	_ =	sdelay $0x1  }
0x99: {  	s4 =	simm.s32 $_scs_section_size  }
0x9a: {  	s5 =	simm.s32 $_size__tile_overlayer_lowered;
	s6 =	simm.s32 $_tile_overlayer_lowered  }
0x9b: {  	s22 =	simm.s32 $0x1BFF;
	s21 =	sshll.u32 s6, $0x1;
	s3 =	sadd.s32 s4, s19  }
0x9c: {  	s7 =	simm.s32 $0x0;
	s20 =	sshll.u32 s5, $0x1;
	s5 =	sadd.s32 s21, s3  }
0x9d: {  	[timem:s7], [sflag:s22] =	dma.local [hbm:s5], s20  }
0x9e: {  	_ =	swait.ge [sflag:s22], s20  }
0x9f: {  	s4 =	ssub.s32 $0x0, s20;
	[sflag:s22] =	ssyncset.done $0x0  }
0xa0: {  	[sflag:s22] =	ssyncadd.s32 s4;
	_ =	sdelay $0x1  }
0xa1: {  	s23 =	simm.s32 $0x1B8B  }
0xa2: {  	_ =	swait.ge [sflag:s23], $0x1  }
0xa3: {  	[sflag:s23] =	ssyncset.done $0x0  }
0xa4: {  	s25 =	simm.s32 $0x1B8E;
	s24 =	sld [smem:$0x3FFE];
	[sflag:s23] =	ssyncadd.s32 $0xFFFFFFFF  }
0xa5: {  	s26 =	simm.s32 $execute0_lowered;
	[smem:$0x3FD2] =	sst s25  }
0xa6: {  	s5 =	sshll.u32 s26, $0x1;
	_ =	strace $0x80000046;
	[dreg:$0x1] =	wrdreg $0xFFFFFFFF  }
0xa7: {  	s28 =	simm.s32 $_size_execute0_lowered;
	s3 =	sadd.s32 s3, s5;
	[dreg:$0x0] =	wrdreg $0x0  }
0xa8: {  	s5 =	sshll.u32 s28, $0x1;
	[dreg:$0x2] =	wrdreg s3  }
0xa9: {  	[dreg:$0x3] =	wrdreg s5  }
0xaa: {  	[dreg:$0x4] =	wrdreg $0xC0  }
0xab: {  	_ =	task [dreg:s7], $0x5FFFF  }
0xac: {  	[dreg:$0x1] =	wrdreg $0xFFFFFFFF  }
0xad: {  	[dreg:$0x0] =	wrdreg $0x60  }
0xae: {  	[dreg:$0x2] =	wrdreg s24  }
0xaf: {  	[dreg:$0x3] =	wrdreg s2  }
0xb0: {  	[dreg:$0x4] =	wrdreg $0x9  }
0xb1: {  	_ =	task.clear_ibuf [dreg:s7], $0x5FFFF;
	_ =	strace $0x90000046  }
0xb2: {  	s29 =	simm.s32 $0x9;
	_ =	strace $0x80000048  }
0xb3: {  	_ =	swait.ge [sflag:s29], $0x1  }
0xb4: {  	[sflag:s29] =	ssyncadd.s32 $0xFFFFFFFF  }
0xb5: {  	_ =	strace $0x90000048  }
0xb6: {  	_ =	sfence  }
0xb7: {  	s30 =	sld [smem:$0x0];
	_ =	sdelay $0x2  }
0xb8: {  	s31 =	sshll.u32 s1, $0xD;
	s1 =	sshrl.u32 s1, $0x2  }
0xb9: {  	s3 =	sand.u32 $0x4000, s31;
	s1 =	sadd.s32 s1, s30  }
0xba: {  	s0 =	sor.u32 s3, s0;
	s1 =	sshll.u32 s1, $0x11  }
0xbb: {  	s0 =	sor.u32 s1, s0  }
0xbc: {  	s0 =	sadd.s32 $0x8F2B, s0  }
0xbd: {  	[sflag:s0] =	ssyncadd.remote.s32 $0x1  }
0xbe: {  	_ =	sfence.sel $0xFFFF  }
0xbf: {  	[dreg:$0x0] =	wrdreg $0xFFFFFFFF;
	(pc) =	sbr.abs _section_cstart, $3  }
0xc0: {  	[dreg:$0x1] =	wrdreg $0xFFFFFFFF  }
0xc1: {  	_ =	task.clear_ibuf [dreg:s7], $0x2FFFF;
	_ =	strace $0x9FFFFFFF  }
0xc2: {  	(tm) =	ssettm $0x7FFFFFFF  }
0xc3: {  	_ =	shalt  }
tec
execute0_lowered:
.L_overlay_start_1:
0x0: {  	(tag) =	ssettag $0x1  }
0x1: {  	s5 =	rddreg [dreg:$0x0]  }
0x2: {  	s6 =	rddreg [dreg:$0x1];
	s2 =	srdreg.scid  }
0x3: {  	s0 =	rddreg [dreg:$0x2];
	s1 =	stileid.u32;
	s11 =	simm.s32 $0x400  }
0x4: {  	s12 =	simm.s32 $0x280;
	s13 =	simm.s32 $0x480;
	s14 =	simm.s32 $0x300  }
0x5: {  	s15 =	simm.s32 $0x500;
	s16 =	simm.s32 $0x380;
	s17 =	simm.s32 $0x580  }
0x6: {  	s18 =	simm.s32 $0x1;
	s19 =	simm.s32 $0x0;
	s4 =	sand.u32 $0x1, s2  }
0x7: {  	s2 =	simm.s32 $0x0;
	s3 =	sshll.u32 s1, $0xA;
	s7 =	sshll.u32 s4, $0x9  }
0x8: {  	[smem:$0x7FF] =	sst s2;
	s31 =	ssub.s32 $0x2, s4;
	s4 =	sadd.s32 $0x200A00, s5  }
0x9: {  	s3 =	sor.u32 s7, s3;
	_ =	strace $0x80000047;
	s9 =	sshrl.u32 s31, $0x1  }
0xa: {  	s8 =	sshrl.u32 s3, $0x3;
	s7 =	ssub.s32 s31, s9;
	s9 =	simm.s32 $0x80  }
0xb: {  	v0 =	vlaneseq.u32;
	s10 =	sadd.s32 s8, s5;
	s5 =	sadd.s32 s6, s8;
	s7 =	smax.u32 s7, $0x1  }
0xc: {  	v0 =	vmul.u32 $0x3E8, v0;
	s8 =	simm.s32 $0x2;
	s6 =	sadd.s32 $0x3F4A00, s10;
	s10 =	simm.s32 $0x200  }
.LBB2_1:
0xd: {  	[tilespmem:s2], [sflag:$0x2] =	stream.linear.gather [hbm4b:s5+s2], $0x200, $0x38;
	[tilespmem:$0x600] =	vst v63  }
0xe: {  	_ =	swait.ge [sflag:s8], $0x200  }
0xf: {  	[sflag:s8] =	ssyncset.done $0x0  }
0x10: {  	v1 =	vmov s3;
	s20 =	simm.s32 $0x0;
	[sflag:s8] =	ssyncadd.s32 $0xFFFFFE00  }
0x11: {  	v2 =	vmul.u32 $0x3E8, v1;
	v1 =	vld [tilespmem:s20+$0x0];
	_ =	sdelay $0x2  }
0x12: {  	v2 =	vbroadcast v2, $0x0  }
0x13: {  	s21 =	simm.s32 $0x40;
	s22 =	sadd.s32 $0x10, s3  }
.LBB2_2:
0x14: {  	s23 =	sshra.s32 s21, $0x2;
	p0 =	sne.s32 s21, $0x7C0;
	s21 =	sadd.s32 $0x40, s21;
	v2 =	vadd.s32 v1, v2  }
.Ltmp0:
0x15: {  	v3 =	vmov s22;
	v1 =	vld [tilespmem:s23+$0x0];
	v2 =	vadd.s32 v0, v2;
	(pc) =	sbr.rel @p0 .LBB2_2-.Ltmp0, $3  }
0x16: {  	v3 =	vmul.u32 $0x3E8, v3;
	[tilespmem:s20+$0x200] =	vst v2;
	s20 =	smov.u32 s23;
	_ =	sdelay $0x1  }
0x17: {  	v2 =	vbroadcast v3, $0x0  }
0x18: {  	s22 =	sadd.s32 $0x10, s22  }
0x19: {  	v1 =	vadd.s32 v1, v2  }
0x1a: {  	v1 =	vadd.s32 v0, v1  }
0x1b: {  	[tilespmem:s20+$0x200] =	vst v1  }
0x1c: {  	[tilespmem:s11], [sflag:$0x1] =	stream.indirect.gather [hbm4b:s4+s9], $0x1, s10, s9, $0xb8;
	[tilespmem:$0x600] =	vst v63  }
0x1d: {  	_ = 	snop  }
0x1e: {  	[tilespmem:s13], [sflag:$0x1] =	stream.indirect.gather [hbm4b:s4+s9], $0x1, s12, s9, $0xb8;
	[tilespmem:$0x600] =	vst v63  }
0x1f: {  	_ = 	snop  }
0x20: {  	[tilespmem:s15], [sflag:$0x1] =	stream.indirect.gather [hbm4b:s4+s9], $0x1, s14, s9, $0xb8;
	[tilespmem:$0x600] =	vst v63  }
0x21: {  	_ = 	snop  }
0x22: {  	[tilespmem:s17], [sflag:$0x1] =	stream.indirect.gather [hbm4b:s4+s9], $0x1, s16, s9, $0xb8;
	[tilespmem:$0x600] =	vst v63  }
0x23: {  	_ =	swait.ge [sflag:s18], $0x80  }
0x24: {  	[sflag:s18] =	ssyncset.done $0x0  }
0x25: {  	[sflag:s18] =	ssyncadd.s32 $0xFFFFFF80  }
0x26: {  	_ =	swait.ge [sflag:s18], $0x80  }
0x27: {  	[sflag:s18] =	ssyncset.done $0x0  }
0x28: {  	[sflag:s18] =	ssyncadd.s32 $0xFFFFFF80  }
0x29: {  	_ =	swait.ge [sflag:s18], $0x80  }
0x2a: {  	[sflag:s18] =	ssyncset.done $0x0  }
0x2b: {  	[sflag:s18] =	ssyncadd.s32 $0xFFFFFF80  }
0x2c: {  	s19 =	sadd.s32 $0x1, s19;
	_ =	swait.ge [sflag:s18], $0x80  }
0x2d: {  	p0 =	sne.s32 s19, s7;
	[sflag:s18] =	ssyncset.done $0x0  }
.Ltmp1:
0x2e: {  	[sflag:s18] =	ssyncadd.s32 $0xFFFFFF80;
	(pc) =	sbr.rel @p0 .LBB2_1-.Ltmp1, $4  }
0x2f: {  	[hbm4b:s6+s2] =	stream.linear.scatter [tilespmem:s11], [sflag:$0x2], $0x200, $0x38;
	[tilespmem:$0x600] =	vst v63  }
0x30: {  	_ =	swait.ge [sflag:s8], $0x200  }
0x31: {  	[sflag:s8] =	ssyncset.done $0x0  }
0x32: {  	[sflag:s8] =	ssyncadd.s32 $0xFFFFFE00  }
0x33: {  	_ =	sfence.sel $0x180000  }
0x34: {  	[bflag:$0x0] =	sbarrier.arrive $0xFFFF  }
0x35: {  	p0 =	sne.s32 s1, $0x0;
	_ =	strace $0x90000047  }
0x36: {  	s0 =	sadd.s32 @!p0 $0x100000, s0;
	[bflag:$0x2] =	sbarrier.arrive $0xFFFF  }
0x37: {  	[sflag:s0] =	ssyncadd.tile.s32 @!p0 $0x1;
	_ =	shalt  }
.Lfunc_end2:
_tile_overlayer_lowered:
.L_overlay_start_2:
0x38: {  	(tag) =	ssettag $0x2  }
0x39: {  	s0 =	rddreg [dreg:$0x0];
	s2 =	stileid.u32  }
0x3a: {  	s1 =	rddreg [dreg:$0x1];
	p0 =	sne.s32 s2, $0x0  }
0x3b: {  	s3 =	rddreg [dreg:$0x2];
	[bflag:$0x3] =	sbarrier.arrive $0xFFFF;
	s2 =	simm.s32 @!p0 $0x1C02  }
0x3c: {  	[timem:s3], [sflag:s2] =	dma.local @!p0 [hbm:s0], s1  }
0x3d: {  	s0 =	simm.s32 @!p0 $0x2  }
0x3e: {  	_ =	swait.ge @!p0 [sflag:s0], s1  }
0x3f: {  	s1 =	ssub.s32 @!p0 $0x0, s1;
	[sflag:s0] =	ssyncset.done @!p0 $0x0  }
0x40: {  	[sflag:s0] =	ssyncadd.s32 @!p0 s1  }
0x41: {  	[bflag:$0x3] =	sbarrier.arrive $0xFFFF  }
0x42: {  	_ =	shalt  }

</sc_bundles>
